<compile_context>
chip_gen: v7x
topology: tpu7x:2x2x1
jax: 0.10.2.dev20260603
libtpu: 0.0.44.dev20260713+nightly
codegen_flags: <defaults>
</compile_context>

<pallas_src>
import jax
import jax.numpy as jnp
from jax import lax
from jax.experimental import pallas as pl
from jax.experimental.pallas import tpu as pltpu
from jax.experimental.pallas import tpu_sc as plsc

BATCH = 16384
DIM = 128


_info = plsc.get_sparse_core_info()
_NC, _NS = _info.num_cores, _info.num_subcores
_NW = _NC * _NS
_CH = 256


def _make_sc_gather_body(n_rows):
    bpw = n_rows // _NW
    half = bpw // 2

    def body(user_hbm, item_hbm, ut_hbm, it_hbm, x_out,
             idxu_v, idxi_v, bufu, bufi, gs, su, si):
        wid = lax.axis_index("s") * _NC + lax.axis_index("c")
        base = wid * bpw
        pltpu.sync_copy(user_hbm.at[pl.ds(base, bpw)], idxu_v)
        pltpu.sync_copy(item_hbm.at[pl.ds(base, bpw)], idxi_v)
        pltpu.async_copy(ut_hbm.at[idxu_v], bufu, gs).wait()
        s_u = pltpu.async_copy(
            bufu, x_out.at[pl.ds(base, bpw), pl.ds(0, DIM)], su)
        pltpu.async_copy(
            it_hbm.at[idxi_v.at[pl.ds(0, half)]], bufi, gs).wait()
        s_i = pltpu.async_copy(
            bufi, x_out.at[pl.ds(base, half), pl.ds(DIM, DIM)], si)
        s_i.wait()
        pltpu.async_copy(
            it_hbm.at[idxi_v.at[pl.ds(half, half)]], bufi, gs).wait()
        pltpu.async_copy(
            bufi, x_out.at[pl.ds(base + half, half), pl.ds(DIM, DIM)],
            si).wait()
        s_u.wait()

    return body


def _sc_gather(user, item, user_table, item_table):
    n_rows = user.shape[0]
    bpw = n_rows // _NW
    half = bpw // 2
    mesh = plsc.VectorSubcoreMesh(core_axis_name="c", subcore_axis_name="s")
    f = pl.kernel(
        _make_sc_gather_body(n_rows),
        mesh=mesh,
        out_type=jax.ShapeDtypeStruct((n_rows, 2 * DIM), jnp.float32),
        scratch_types=[
            pltpu.VMEM((bpw,), jnp.int32),
            pltpu.VMEM((bpw,), jnp.int32),
            pltpu.VMEM((bpw, DIM), jnp.float32),
            pltpu.VMEM((half, DIM), jnp.float32),
            pltpu.SemaphoreType.DMA,
            pltpu.SemaphoreType.DMA,
            pltpu.SemaphoreType.DMA,
        ],
    )
    return f(user, item, user_table, item_table)



_BM = 4096


def _mlp_body(x_ref, w1_ref, b1_ref, w2_ref, b2_ref,
              w3_ref, b3_ref, wd_ref, bd_ref, out_ref):
    bf = jnp.bfloat16
    h = jnp.dot(x_ref[...].astype(bf), w1_ref[...].astype(bf),
                preferred_element_type=jnp.float32)
    h = jnp.maximum(h + b1_ref[...][None, :], 0.0).astype(bf)
    h = jnp.maximum(
        jnp.dot(h, w2_ref[...].astype(bf), preferred_element_type=jnp.float32)
        + b2_ref[...][None, :], 0.0).astype(bf)
    h = jnp.maximum(
        jnp.dot(h, w3_ref[...].astype(bf), preferred_element_type=jnp.float32)
        + b3_ref[...][None, :], 0.0)
    o = jnp.sum(h * wd_ref[...][None, :], axis=1, keepdims=True) + bd_ref[0]
    out_ref[...] = 1.0 / (1.0 + jnp.exp(-o))


def _mlp(x, W1, b1, W2, b2, W3, b3, Wd, bd):
    n_rows = x.shape[0]
    H1, H2, H3 = W1.shape[1], W2.shape[1], W3.shape[1]
    bf = jnp.bfloat16
    grid = (n_rows // _BM,)
    zero = lambda i: (0, 0)
    out = pl.pallas_call(
        _mlp_body,
        grid=grid,
        in_specs=[
            pl.BlockSpec((_BM, 2 * DIM), lambda i: (i, 0)),
            pl.BlockSpec((2 * DIM, H1), zero),
            pl.BlockSpec((H1,), lambda i: (0,)),
            pl.BlockSpec((H1, H2), zero),
            pl.BlockSpec((H2,), lambda i: (0,)),
            pl.BlockSpec((H2, H3), zero),
            pl.BlockSpec((H3,), lambda i: (0,)),
            pl.BlockSpec((H3,), lambda i: (0,)),
            pl.BlockSpec((1,), lambda i: (0,)),
        ],
        out_specs=pl.BlockSpec((_BM, 1), lambda i: (i, 0)),
        out_shape=jax.ShapeDtypeStruct((n_rows, 1), jnp.float32),
    )(x, W1, b1, W2, b2, W3, b3, Wd.reshape(H3), bd)
    return out


def kernel(user, item, user_table, item_table, W1, b1, W2, b2, W3, b3, Wd, bd):
    x = _sc_gather(user, item, user_table, item_table)
    out = _mlp(x, W1, b1, W2, b2, W3, b3, Wd, bd)
    return out.reshape(-1)

# --- scband reference (transcript-rebuilt; emitter-appended) ---
"""Pipeline reference for scband-mlp-66984309948865 (READ-ONLY COPY).

The authoritative reference and input builder live on the scoring server;
editing this copy changes nothing except your own understanding.
"""

import jax, jax.numpy as jnp
import numpy as np

NUM_USERS = 100000
NUM_ITEMS = 1000000
DIM = 128
HIDDENS = [1024, 512, 256]
BATCH = 16384

def _xavier(key, fan_in, fan_out):
    limit = np.sqrt(6.0 / (fan_in + fan_out))
    return jax.random.uniform(key, (fan_in, fan_out), dtype=jnp.float32, minval=-limit, maxval=limit)

def setup_inputs(seed: int = 0) -> dict:
    key = jax.random.key(seed)
    ks = jax.random.split(key, 12)
    user = jax.random.randint(ks[0], (BATCH,), 0, NUM_USERS, dtype=jnp.int64 if jax.config.jax_enable_x64 else jnp.int32)
    item = jax.random.randint(ks[1], (BATCH,), 0, NUM_ITEMS, dtype=jnp.int64 if jax.config.jax_enable_x64 else jnp.int32)
    user_table = jax.random.normal(ks[2], (NUM_USERS + 1, DIM), dtype=jnp.float32) * 0.01
    item_table = jax.random.normal(ks[3], (NUM_ITEMS + 1, DIM), dtype=jnp.float32) * 0.01
    W1 = _xavier(ks[4], 2 * DIM, HIDDENS[0]); b1 = jnp.zeros((HIDDENS[0],), jnp.float32)
    W2 = _xavier(ks[5], HIDDENS[0], HIDDENS[1]); b2 = jnp.zeros((HIDDENS[1],), jnp.float32)
    W3 = _xavier(ks[6], HIDDENS[1], HIDDENS[2]); b3 = jnp.zeros((HIDDENS[2],), jnp.float32)
    Wd = _xavier(ks[7], HIDDENS[2], 1); bd = jnp.zeros((1,), jnp.float32)
    return {"user": user, "item": item, "user_table": user_table, "item_table": item_table,
            "W1": W1, "b1": b1, "W2": W2, "b2": b2, "W3": W3, "b3": b3, "Wd": Wd, "bd": bd}

def reference(user, item, user_table, item_table, W1, b1, W2, b2, W3, b3, Wd, bd):
    u_emb = jnp.take(user_table, user, axis=0)
    i_emb = jnp.take(item_table, item, axis=0)
    out = jnp.concatenate([u_emb, i_emb], axis=-1)
    out = jax.nn.relu(out @ W1 + b1)
    out = jax.nn.relu(out @ W2 + b2)
    out = jax.nn.relu(out @ W3 + b3)
    out = out @ Wd + bd
    logits = jax.nn.sigmoid(out).reshape(-1)
    return logits

if __name__ == "__main__":
    import jax
    _d = setup_inputs()
    print(jax.jit(kernel)(*tuple(_d.values())))

</pallas_src>

<mosaic_0001>
#map = affine_map<(d0, d1) -> (0)>
#map1 = affine_map<(d0, d1) -> (0, 0)>
module attributes {stable_mosaic.version = 14 : i64} {
  func.func @body(%arg0: i32, %arg1: i32, %arg2: memref<16384xi32, #tpu.memory_space<hbm>>, %arg3: memref<16384xi32, #tpu.memory_space<hbm>>, %arg4: memref<100001x128xf32, #tpu.memory_space<hbm>>, %arg5: memref<1000001x128xf32, #tpu.memory_space<hbm>>, %arg6: memref<16384x256xf32, #tpu.memory_space<hbm>>, %arg7: memref<512xi32, #tpu.memory_space<vmem>>, %arg8: memref<512xi32, #tpu.memory_space<vmem>>, %arg9: memref<512x128xf32, #tpu.memory_space<vmem>>, %arg10: memref<256x128xf32, #tpu.memory_space<vmem>>, %arg11: memref<!tpu.dma_semaphore, #tpu.memory_space<semaphore_mem>>, %arg12: memref<!tpu.dma_semaphore, #tpu.memory_space<semaphore_mem>>, %arg13: memref<!tpu.dma_semaphore, #tpu.memory_space<semaphore_mem>>) attributes {dimension_semantics = [#tpu.dimension_semantics<core_parallel>, #tpu.dimension_semantics<subcore_parallel>], iteration_bounds = array<i64: 2, 16>, scalar_prefetch = 0 : i64, scratch_operands = 7 : i64, tpu.core_type = #tpu.core_type<sc_vector_subcore>, window_params = [{transform_indices = #map}, {transform_indices = #map}, {transform_indices = #map1}, {transform_indices = #map1}, {transform_indices = #map1}]} {
    %mul3A = arith.constant 2 : i32
    %mul3A_0 = arith.muli %arg1, %mul3A : i32
    %add3A = arith.addi %mul3A_0, %arg0 : i32
    %mul3A_1 = arith.constant 512 : i32
    %mul3A_2 = arith.muli %add3A, %mul3A_1 : i32
    "tpu.region"() ({
      %run_scoped3A = tpu.sem_alloc : memref<!tpu.dma_semaphore, #tpu.memory_space<semaphore_mem>>
      %dma_start3A_53 = tpu.memref_slice %arg2[%mul3A_2] : memref<16384xi32, #tpu.memory_space<hbm>> -> memref<512xi32, #tpu.memory_space<hbm>>
      %dma_start3A_54 = tpu.memref_slice %arg2[%mul3A_2] : memref<16384xi32, #tpu.memory_space<hbm>> -> memref<512xi32, #tpu.memory_space<hbm>>
      tpu.enqueue_dma source(%dma_start3A_54 : memref<512xi32, #tpu.memory_space<hbm>>) target(%arg7 : memref<512xi32, #tpu.memory_space<vmem>>) target_semaphore(%run_scoped3A : memref<!tpu.dma_semaphore, #tpu.memory_space<semaphore_mem>>)
      %dma_wait3A_55 = tpu.memref_slice %arg2[%mul3A_2] : memref<16384xi32, #tpu.memory_space<hbm>> -> memref<512xi32, #tpu.memory_space<hbm>>
      %dma_wait3A_56 = tpu.memref_slice %arg2[%mul3A_2] : memref<16384xi32, #tpu.memory_space<hbm>> -> memref<512xi32, #tpu.memory_space<hbm>>
      tpu.wait_dma2 semaphore(%run_scoped3A : memref<!tpu.dma_semaphore, #tpu.memory_space<semaphore_mem>>) src(%dma_wait3A_56 : memref<512xi32, #tpu.memory_space<hbm>>) dst(%arg7 : memref<512xi32, #tpu.memory_space<vmem>>)
      tpu.yield
    }) : () -> ()
    "tpu.region"() ({
      %run_scoped3A = tpu.sem_alloc : memref<!tpu.dma_semaphore, #tpu.memory_space<semaphore_mem>>
      %dma_start3A_53 = tpu.memref_slice %arg3[%mul3A_2] : memref<16384xi32, #tpu.memory_space<hbm>> -> memref<512xi32, #tpu.memory_space<hbm>>
      %dma_start3A_54 = tpu.memref_slice %arg3[%mul3A_2] : memref<16384xi32, #tpu.memory_space<hbm>> -> memref<512xi32, #tpu.memory_space<hbm>>
      tpu.enqueue_dma source(%dma_start3A_54 : memref<512xi32, #tpu.memory_space<hbm>>) target(%arg8 : memref<512xi32, #tpu.memory_space<vmem>>) target_semaphore(%run_scoped3A : memref<!tpu.dma_semaphore, #tpu.memory_space<semaphore_mem>>)
      %dma_wait3A_55 = tpu.memref_slice %arg3[%mul3A_2] : memref<16384xi32, #tpu.memory_space<hbm>> -> memref<512xi32, #tpu.memory_space<hbm>>
      %dma_wait3A_56 = tpu.memref_slice %arg3[%mul3A_2] : memref<16384xi32, #tpu.memory_space<hbm>> -> memref<512xi32, #tpu.memory_space<hbm>>
      tpu.wait_dma2 semaphore(%run_scoped3A : memref<!tpu.dma_semaphore, #tpu.memory_space<semaphore_mem>>) src(%dma_wait3A_56 : memref<512xi32, #tpu.memory_space<hbm>>) dst(%arg8 : memref<512xi32, #tpu.memory_space<vmem>>)
      tpu.yield
    }) : () -> ()
    %dma_start3A = arith.constant 0 : i32
    %dma_start3A_3 = arith.constant 0 : i32
    %dma_start3A_4 = tpu.memref_slice %arg4[%dma_start3A, %dma_start3A_3] : memref<100001x128xf32, #tpu.memory_space<hbm>> -> memref<100001x128xf32, #tpu.memory_space<hbm>>
    tpu.enqueue_indirect_dma source(%dma_start3A_4 : memref<100001x128xf32, #tpu.memory_space<hbm>>) target(%arg9 : memref<512x128xf32, #tpu.memory_space<vmem>>) offsets(%arg7 : memref<512xi32, #tpu.memory_space<vmem>>) semaphore(%arg11 : memref<!tpu.dma_semaphore, #tpu.memory_space<semaphore_mem>>)
    %dma_wait3A = arith.constant 0 : i32
    %dma_wait3A_5 = arith.constant 0 : i32
    %dma_wait3A_6 = tpu.memref_slice %arg4[%dma_wait3A, %dma_wait3A_5] : memref<100001x128xf32, #tpu.memory_space<hbm>> -> memref<100001x128xf32, #tpu.memory_space<hbm>>
    tpu.wait_indirect_dma semaphore(%arg11 : memref<!tpu.dma_semaphore, #tpu.memory_space<semaphore_mem>>) src(%dma_wait3A_6 : memref<100001x128xf32, #tpu.memory_space<hbm>>) dst(%arg9 : memref<512x128xf32, #tpu.memory_space<vmem>>)
    %dma_start3A_7 = arith.constant 0 : i32
    %dma_start3A_8 = tpu.memref_slice %arg6[%mul3A_2, %dma_start3A_7] : memref<16384x256xf32, #tpu.memory_space<hbm>> -> memref<512x128xf32, #tpu.memory_space<hbm>>
    %dma_start3A_9 = arith.constant 0 : i32
    %dma_start3A_10 = tpu.memref_slice %arg6[%mul3A_2, %dma_start3A_9] : memref<16384x256xf32, #tpu.memory_space<hbm>> -> memref<512x128xf32, #tpu.memory_space<hbm>>
    tpu.enqueue_dma source(%arg9 : memref<512x128xf32, #tpu.memory_space<vmem>>) target(%dma_start3A_10 : memref<512x128xf32, #tpu.memory_space<hbm>>) target_semaphore(%arg12 : memref<!tpu.dma_semaphore, #tpu.memory_space<semaphore_mem>>)
    %dma_start3A_11 = arith.constant 0 : i32
    %dma_start3A_12 = tpu.memref_slice %arg8[%dma_start3A_11] : memref<512xi32, #tpu.memory_space<vmem>> -> memref<256xi32, #tpu.memory_space<vmem>>
    %dma_start3A_13 = arith.constant 0 : i32
    %dma_start3A_14 = arith.constant 0 : i32
    %dma_start3A_15 = tpu.memref_slice %arg5[%dma_start3A_13, %dma_start3A_14] : memref<1000001x128xf32, #tpu.memory_space<hbm>> -> memref<1000001x128xf32, #tpu.memory_space<hbm>>
    tpu.enqueue_indirect_dma source(%dma_start3A_15 : memref<1000001x128xf32, #tpu.memory_space<hbm>>) target(%arg10 : memref<256x128xf32, #tpu.memory_space<vmem>>) offsets(%dma_start3A_12 : memref<256xi32, #tpu.memory_space<vmem>>) semaphore(%arg11 : memref<!tpu.dma_semaphore, #tpu.memory_space<semaphore_mem>>)
    %dma_wait3A_16 = arith.constant 0 : i32
    %dma_wait3A_17 = tpu.memref_slice %arg8[%dma_wait3A_16] : memref<512xi32, #tpu.memory_space<vmem>> -> memref<256xi32, #tpu.memory_space<vmem>>
    %dma_wait3A_18 = arith.constant 0 : i32
    %dma_wait3A_19 = arith.constant 0 : i32
    %dma_wait3A_20 = tpu.memref_slice %arg5[%dma_wait3A_18, %dma_wait3A_19] : memref<1000001x128xf32, #tpu.memory_space<hbm>> -> memref<1000001x128xf32, #tpu.memory_space<hbm>>
    tpu.wait_indirect_dma semaphore(%arg11 : memref<!tpu.dma_semaphore, #tpu.memory_space<semaphore_mem>>) src(%dma_wait3A_20 : memref<1000001x128xf32, #tpu.memory_space<hbm>>) dst(%arg10 : memref<256x128xf32, #tpu.memory_space<vmem>>)
    %dma_start3A_21 = arith.constant 128 : i32
    %dma_start3A_22 = tpu.memref_slice %arg6[%mul3A_2, %dma_start3A_21] : memref<16384x256xf32, #tpu.memory_space<hbm>> -> memref<256x128xf32, #tpu.memory_space<hbm>>
    %dma_start3A_23 = arith.constant 128 : i32
    %dma_start3A_24 = tpu.memref_slice %arg6[%mul3A_2, %dma_start3A_23] : memref<16384x256xf32, #tpu.memory_space<hbm>> -> memref<256x128xf32, #tpu.memory_space<hbm>>
    tpu.enqueue_dma source(%arg10 : memref<256x128xf32, #tpu.memory_space<vmem>>) target(%dma_start3A_24 : memref<256x128xf32, #tpu.memory_space<hbm>>) target_semaphore(%arg13 : memref<!tpu.dma_semaphore, #tpu.memory_space<semaphore_mem>>)
    %dma_wait3A_25 = arith.constant 128 : i32
    %dma_wait3A_26 = tpu.memref_slice %arg6[%mul3A_2, %dma_wait3A_25] : memref<16384x256xf32, #tpu.memory_space<hbm>> -> memref<256x128xf32, #tpu.memory_space<hbm>>
    %dma_wait3A_27 = arith.constant 128 : i32
    %dma_wait3A_28 = tpu.memref_slice %arg6[%mul3A_2, %dma_wait3A_27] : memref<16384x256xf32, #tpu.memory_space<hbm>> -> memref<256x128xf32, #tpu.memory_space<hbm>>
    tpu.wait_dma2 semaphore(%arg13 : memref<!tpu.dma_semaphore, #tpu.memory_space<semaphore_mem>>) src(%arg10 : memref<256x128xf32, #tpu.memory_space<vmem>>) dst(%dma_wait3A_28 : memref<256x128xf32, #tpu.memory_space<hbm>>)
    %dma_start3A_29 = arith.constant 256 : i32
    %dma_start3A_30 = tpu.memref_slice %arg8[%dma_start3A_29] : memref<512xi32, #tpu.memory_space<vmem>> -> memref<256xi32, #tpu.memory_space<vmem>>
    %dma_start3A_31 = arith.constant 0 : i32
    %dma_start3A_32 = arith.constant 0 : i32
    %dma_start3A_33 = tpu.memref_slice %arg5[%dma_start3A_31, %dma_start3A_32] : memref<1000001x128xf32, #tpu.memory_space<hbm>> -> memref<1000001x128xf32, #tpu.memory_space<hbm>>
    tpu.enqueue_indirect_dma source(%dma_start3A_33 : memref<1000001x128xf32, #tpu.memory_space<hbm>>) target(%arg10 : memref<256x128xf32, #tpu.memory_space<vmem>>) offsets(%dma_start3A_30 : memref<256xi32, #tpu.memory_space<vmem>>) semaphore(%arg11 : memref<!tpu.dma_semaphore, #tpu.memory_space<semaphore_mem>>)
    %dma_wait3A_34 = arith.constant 256 : i32
    %dma_wait3A_35 = tpu.memref_slice %arg8[%dma_wait3A_34] : memref<512xi32, #tpu.memory_space<vmem>> -> memref<256xi32, #tpu.memory_space<vmem>>
    %dma_wait3A_36 = arith.constant 0 : i32
    %dma_wait3A_37 = arith.constant 0 : i32
    %dma_wait3A_38 = tpu.memref_slice %arg5[%dma_wait3A_36, %dma_wait3A_37] : memref<1000001x128xf32, #tpu.memory_space<hbm>> -> memref<1000001x128xf32, #tpu.memory_space<hbm>>
    tpu.wait_indirect_dma semaphore(%arg11 : memref<!tpu.dma_semaphore, #tpu.memory_space<semaphore_mem>>) src(%dma_wait3A_38 : memref<1000001x128xf32, #tpu.memory_space<hbm>>) dst(%arg10 : memref<256x128xf32, #tpu.memory_space<vmem>>)
    %add3A_39 = arith.constant 256 : i32
    %add3A_40 = arith.addi %mul3A_2, %add3A_39 : i32
    %dma_start3A_41 = arith.constant 128 : i32
    %dma_start3A_42 = tpu.memref_slice %arg6[%add3A_40, %dma_start3A_41] : memref<16384x256xf32, #tpu.memory_space<hbm>> -> memref<256x128xf32, #tpu.memory_space<hbm>>
    %dma_start3A_43 = arith.constant 128 : i32
    %dma_start3A_44 = tpu.memref_slice %arg6[%add3A_40, %dma_start3A_43] : memref<16384x256xf32, #tpu.memory_space<hbm>> -> memref<256x128xf32, #tpu.memory_space<hbm>>
    tpu.enqueue_dma source(%arg10 : memref<256x128xf32, #tpu.memory_space<vmem>>) target(%dma_start3A_44 : memref<256x128xf32, #tpu.memory_space<hbm>>) target_semaphore(%arg13 : memref<!tpu.dma_semaphore, #tpu.memory_space<semaphore_mem>>)
    %dma_wait3A_45 = arith.constant 128 : i32
    %dma_wait3A_46 = tpu.memref_slice %arg6[%add3A_40, %dma_wait3A_45] : memref<16384x256xf32, #tpu.memory_space<hbm>> -> memref<256x128xf32, #tpu.memory_space<hbm>>
    %dma_wait3A_47 = arith.constant 128 : i32
    %dma_wait3A_48 = tpu.memref_slice %arg6[%add3A_40, %dma_wait3A_47] : memref<16384x256xf32, #tpu.memory_space<hbm>> -> memref<256x128xf32, #tpu.memory_space<hbm>>
    tpu.wait_dma2 semaphore(%arg13 : memref<!tpu.dma_semaphore, #tpu.memory_space<semaphore_mem>>) src(%arg10 : memref<256x128xf32, #tpu.memory_space<vmem>>) dst(%dma_wait3A_48 : memref<256x128xf32, #tpu.memory_space<hbm>>)
    %dma_wait3A_49 = arith.constant 0 : i32
    %dma_wait3A_50 = tpu.memref_slice %arg6[%mul3A_2, %dma_wait3A_49] : memref<16384x256xf32, #tpu.memory_space<hbm>> -> memref<512x128xf32, #tpu.memory_space<hbm>>
    %dma_wait3A_51 = arith.constant 0 : i32
    %dma_wait3A_52 = tpu.memref_slice %arg6[%mul3A_2, %dma_wait3A_51] : memref<16384x256xf32, #tpu.memory_space<hbm>> -> memref<512x128xf32, #tpu.memory_space<hbm>>
    tpu.wait_dma2 semaphore(%arg12 : memref<!tpu.dma_semaphore, #tpu.memory_space<semaphore_mem>>) src(%arg9 : memref<512x128xf32, #tpu.memory_space<vmem>>) dst(%dma_wait3A_52 : memref<512x128xf32, #tpu.memory_space<hbm>>)
    return
  }
}

module attributes {stable_mosaic.version = 14 : i64} {
  func.func @_mlp_body(%arg0: i32, %arg1: memref<4096x256xf32, #tpu.memory_space<vmem>>, %arg2: memref<256x1024xf32, #tpu.memory_space<vmem>>, %arg3: memref<1024xf32, #tpu.memory_space<vmem>>, %arg4: memref<1024x512xf32, #tpu.memory_space<vmem>>, %arg5: memref<512xf32, #tpu.memory_space<vmem>>, %arg6: memref<512x256xf32, #tpu.memory_space<vmem>>, %arg7: memref<256xf32, #tpu.memory_space<vmem>>, %arg8: memref<256xf32, #tpu.memory_space<vmem>>, %arg9: memref<1xf32, #tpu.memory_space<vmem>>, %arg10: memref<4096x1xf32, #tpu.memory_space<vmem>>) attributes {dimension_semantics = [#tpu.dimension_semantics<arbitrary>], iteration_bounds = array<i64: 4>, scalar_prefetch = 0 : i64, scratch_operands = 0 : i64, tpu.core_type = #tpu.core_type<tc>, window_params = [{transform_indices = @transform_0, window_bounds = array<i64: 4096, 256>}, {pipeline_mode = #tpu.pipeline_mode<synchronous>, transform_indices = @transform_1, window_bounds = array<i64: 256, 1024>}, {pipeline_mode = #tpu.pipeline_mode<synchronous>, transform_indices = @transform_2, window_bounds = array<i64: 1024>}, {pipeline_mode = #tpu.pipeline_mode<synchronous>, transform_indices = @transform_3, window_bounds = array<i64: 1024, 512>}, {pipeline_mode = #tpu.pipeline_mode<synchronous>, transform_indices = @transform_4, window_bounds = array<i64: 512>}, {pipeline_mode = #tpu.pipeline_mode<synchronous>, transform_indices = @transform_5, window_bounds = array<i64: 512, 256>}, {pipeline_mode = #tpu.pipeline_mode<synchronous>, transform_indices = @transform_6, window_bounds = array<i64: 256>}, {pipeline_mode = #tpu.pipeline_mode<synchronous>, transform_indices = @transform_7, window_bounds = array<i64: 256>}, {pipeline_mode = #tpu.pipeline_mode<synchronous>, transform_indices = @transform_8, window_bounds = array<i64: 1>}, {transform_indices = @transform_9, window_bounds = array<i64: 4096, 1>}]} {
    %get3A = arith.constant 0 : index
    %get3A_0 = arith.constant 0 : index
    %get3A_1 = vector.load %arg1[%get3A, %get3A_0] : memref<4096x256xf32, #tpu.memory_space<vmem>>, vector<4096x256xf32>
    %convert_element_type3A = arith.truncf %get3A_1 : vector<4096x256xf32> to vector<4096x256xbf16>
    %get3A_2 = arith.constant 0 : index
    %get3A_3 = arith.constant 0 : index
    %get3A_4 = vector.load %arg2[%get3A_2, %get3A_3] : memref<256x1024xf32, #tpu.memory_space<vmem>>, vector<256x1024xf32>
    %convert_element_type3A_5 = arith.truncf %get3A_4 : vector<256x1024xf32> to vector<256x1024xbf16>
    %dot_general3A = arith.constant dense<0.000000e+00> : vector<4096x1024xf32>
    %dot_general3A_6 = tpu.matmul %convert_element_type3A, %convert_element_type3A_5, %dot_general3A {dimension_numbers = #tpu.dot_dimension_numbers<[1], [0], [0], [1], [0, 0, 1, 1], [], []>, transpose_lhs_hint = false} : vector<4096x256xbf16>, vector<256x1024xbf16>, vector<4096x1024xf32> -> vector<4096x1024xf32>
    %get3A_7 = arith.constant 0 : index
    %get3A_8 = vector.load %arg3[%get3A_7] : memref<1024xf32, #tpu.memory_space<vmem>>, vector<1024xf32>
    %broadcast_in_dim3A = vector.shape_cast %get3A_8 : vector<1024xf32> to vector<1x1024xf32>
    %add3A = vector.broadcast %broadcast_in_dim3A : vector<1x1024xf32> to vector<4096x1024xf32>
    %add3A_9 = arith.addf %dot_general3A_6, %add3A : vector<4096x1024xf32>
    %max3A = arith.constant 0.000000e+00 : f32
    %max3A_10 = vector.broadcast %max3A : f32 to vector<4096x1024xf32>
    %max3A_11 = arith.maximumf %add3A_9, %max3A_10 : vector<4096x1024xf32>
    %convert_element_type3A_12 = arith.truncf %max3A_11 : vector<4096x1024xf32> to vector<4096x1024xbf16>
    %get3A_13 = arith.constant 0 : index
    %get3A_14 = arith.constant 0 : index
    %get3A_15 = vector.load %arg4[%get3A_13, %get3A_14] : memref<1024x512xf32, #tpu.memory_space<vmem>>, vector<1024x512xf32>
    %convert_element_type3A_16 = arith.truncf %get3A_15 : vector<1024x512xf32> to vector<1024x512xbf16>
    %dot_general3A_17 = arith.constant dense<0.000000e+00> : vector<4096x512xf32>
    %dot_general3A_18 = tpu.matmul %convert_element_type3A_12, %convert_element_type3A_16, %dot_general3A_17 {dimension_numbers = #tpu.dot_dimension_numbers<[1], [0], [0], [1], [0, 0, 1, 1], [], []>, transpose_lhs_hint = false} : vector<4096x1024xbf16>, vector<1024x512xbf16>, vector<4096x512xf32> -> vector<4096x512xf32>
    %get3A_19 = arith.constant 0 : index
    %get3A_20 = vector.load %arg5[%get3A_19] : memref<512xf32, #tpu.memory_space<vmem>>, vector<512xf32>
    %broadcast_in_dim3A_21 = vector.shape_cast %get3A_20 : vector<512xf32> to vector<1x512xf32>
    %add3A_22 = vector.broadcast %broadcast_in_dim3A_21 : vector<1x512xf32> to vector<4096x512xf32>
    %add3A_23 = arith.addf %dot_general3A_18, %add3A_22 : vector<4096x512xf32>
    %max3A_24 = arith.constant 0.000000e+00 : f32
    %max3A_25 = vector.broadcast %max3A_24 : f32 to vector<4096x512xf32>
    %max3A_26 = arith.maximumf %add3A_23, %max3A_25 : vector<4096x512xf32>
    %convert_element_type3A_27 = arith.truncf %max3A_26 : vector<4096x512xf32> to vector<4096x512xbf16>
    %get3A_28 = arith.constant 0 : index
    %get3A_29 = arith.constant 0 : index
    %get3A_30 = vector.load %arg6[%get3A_28, %get3A_29] : memref<512x256xf32, #tpu.memory_space<vmem>>, vector<512x256xf32>
    %convert_element_type3A_31 = arith.truncf %get3A_30 : vector<512x256xf32> to vector<512x256xbf16>
    %dot_general3A_32 = arith.constant dense<0.000000e+00> : vector<4096x256xf32>
    %dot_general3A_33 = tpu.matmul %convert_element_type3A_27, %convert_element_type3A_31, %dot_general3A_32 {dimension_numbers = #tpu.dot_dimension_numbers<[1], [0], [0], [1], [0, 0, 1, 1], [], []>, transpose_lhs_hint = false} : vector<4096x512xbf16>, vector<512x256xbf16>, vector<4096x256xf32> -> vector<4096x256xf32>
    %get3A_34 = arith.constant 0 : index
    %get3A_35 = vector.load %arg7[%get3A_34] : memref<256xf32, #tpu.memory_space<vmem>>, vector<256xf32>
    %broadcast_in_dim3A_36 = vector.shape_cast %get3A_35 : vector<256xf32> to vector<1x256xf32>
    %add3A_37 = vector.broadcast %broadcast_in_dim3A_36 : vector<1x256xf32> to vector<4096x256xf32>
    %add3A_38 = arith.addf %dot_general3A_33, %add3A_37 : vector<4096x256xf32>
    %max3A_39 = arith.constant 0.000000e+00 : f32
    %max3A_40 = vector.broadcast %max3A_39 : f32 to vector<4096x256xf32>
    %max3A_41 = arith.maximumf %add3A_38, %max3A_40 : vector<4096x256xf32>
    %get3A_42 = arith.constant 0 : index
    %get3A_43 = vector.load %arg8[%get3A_42] : memref<256xf32, #tpu.memory_space<vmem>>, vector<256xf32>
    %broadcast_in_dim3A_44 = vector.shape_cast %get3A_43 : vector<256xf32> to vector<1x256xf32>
    %mul3A = vector.broadcast %broadcast_in_dim3A_44 : vector<1x256xf32> to vector<4096x256xf32>
    %mul3A_45 = arith.mulf %max3A_41, %mul3A : vector<4096x256xf32>
    %reduce_sum3A = arith.constant dense<0.000000e+00> : vector<4096xf32>
    %reduce_sum3A_46 = vector.multi_reduction <add>, %mul3A_45, %reduce_sum3A [1] : vector<4096x256xf32> to vector<4096xf32>
    %broadcast_in_dim3A_47 = vector.shape_cast %reduce_sum3A_46 : vector<4096xf32> to vector<4096x1xf32>
    %get3A_48 = arith.constant 0 : index
    %get3A_49 = vector.load %arg9[%get3A_48] : memref<1xf32, #tpu.memory_space<vmem>>, vector<1xf32>
    %get3A_50 = vector.extract %get3A_49[0] : f32 from vector<1xf32>
    %add3A_51 = vector.broadcast %get3A_50 : f32 to vector<4096x1xf32>
    %add3A_52 = arith.addf %broadcast_in_dim3A_47, %add3A_51 : vector<4096x1xf32>
    %neg3A = arith.constant 0.000000e+00 : f32
    %neg3A_53 = vector.broadcast %neg3A : f32 to vector<4096x1xf32>
    %neg3A_54 = arith.subf %neg3A_53, %add3A_52 : vector<4096x1xf32>
    %exp3A = math.exp %neg3A_54 : vector<4096x1xf32>
    %add3A_55 = arith.constant 1.000000e+00 : f32
    %add3A_56 = vector.broadcast %add3A_55 : f32 to vector<4096x1xf32>
    %add3A_57 = arith.addf %add3A_56, %exp3A : vector<4096x1xf32>
    %div3A = arith.constant 1.000000e+00 : f32
    %div3A_58 = vector.broadcast %div3A : f32 to vector<4096x1xf32>
    %div3A_59 = arith.divf %div3A_58, %add3A_57 : vector<4096x1xf32>
    %swap3A = arith.constant 0 : index
    %swap3A_60 = arith.constant 0 : index
    %swap3A_61 = vector.load %arg10[%swap3A, %swap3A_60] : memref<4096x1xf32, #tpu.memory_space<vmem>>, vector<4096x1xf32>
    tpu.vector_store %arg10[%swap3A, %swap3A_60], %div3A_59 {strides = array<i32>} : memref<4096x1xf32, #tpu.memory_space<vmem>>, vector<4096x1xf32>,
    return
  }
  func.func @transform_0(%arg0: i32) -> (i32, i32) {
    %c0_i32 = arith.constant 0 : i32
    %c0_i32_0 = arith.constant 0 : i32
    return %arg0, %c0_i32 : i32, i32
  }
  func.func @transform_1(%arg0: i32) -> (i32, i32) {
    %c0_i32 = arith.constant 0 : i32
    %c0_i32_0 = arith.constant 0 : i32
    %c0_i32_1 = arith.constant 0 : i32
    return %c0_i32, %c0_i32_0 : i32, i32
  }
  func.func @transform_2(%arg0: i32) -> i32 {
    %c0_i32 = arith.constant 0 : i32
    %c0_i32_0 = arith.constant 0 : i32
    return %c0_i32 : i32
  }
  func.func @transform_3(%arg0: i32) -> (i32, i32) {
    %c0_i32 = arith.constant 0 : i32
    %c0_i32_0 = arith.constant 0 : i32
    %c0_i32_1 = arith.constant 0 : i32
    return %c0_i32, %c0_i32_0 : i32, i32
  }
  func.func @transform_4(%arg0: i32) -> i32 {
    %c0_i32 = arith.constant 0 : i32
    %c0_i32_0 = arith.constant 0 : i32
    return %c0_i32 : i32
  }
  func.func @transform_5(%arg0: i32) -> (i32, i32) {
    %c0_i32 = arith.constant 0 : i32
    %c0_i32_0 = arith.constant 0 : i32
    %c0_i32_1 = arith.constant 0 : i32
    return %c0_i32, %c0_i32_0 : i32, i32
  }
  func.func @transform_6(%arg0: i32) -> i32 {
    %c0_i32 = arith.constant 0 : i32
    %c0_i32_0 = arith.constant 0 : i32
    return %c0_i32 : i32
  }
  func.func @transform_7(%arg0: i32) -> i32 {
    %c0_i32 = arith.constant 0 : i32
    %c0_i32_0 = arith.constant 0 : i32
    return %c0_i32 : i32
  }
  func.func @transform_8(%arg0: i32) -> i32 {
    %c0_i32 = arith.constant 0 : i32
    %c0_i32_0 = arith.constant 0 : i32
    return %c0_i32 : i32
  }
  func.func @transform_9(%arg0: i32) -> (i32, i32) {
    %c0_i32 = arith.constant 0 : i32
    %c0_i32_0 = arith.constant 0 : i32
    return %arg0, %c0_i32 : i32, i32
  }
}

</mosaic_0001>

<sc_bundles>
// kernel: kernel.4.cloned.1.call-start
scs
__scs_entry_jumppad:
0x0: {  	(pc) =	sbr.rel $0x88, $3  }
0x1: {  	(tag) =	ssettag $0x0;
	lr =	simm.s32 $0x1  }
0x2: {  	[smem:$0x3F95] =	sst lr;
	_ =	strace $0xD0000000  }
0x3: {  	_ = 	snop  }
0x4: {  	_ = 	snop  }
0x5: {  	_ = 	snop  }
0x6: {  	_ = 	snop  }
0x7: {  	_ = 	snop  }
__scs_overlays_trampoline_lowered:
0x8: {  	[smem:$0x3FA4] =	sst s0  }
0x9: {  	[smem:$0x3FA5] =	sst s1  }
0xa: {  	[smem:$0x3FA6] =	sst s2  }
0xb: {  	[smem:$0x3FA7] =	sst s3  }
0xc: {  	[smem:$0x3FA8] =	sst s4  }
0xd: {  	[smem:$0x3FA9] =	sst s5  }
0xe: {  	[smem:$0x3FAA] =	sst s6  }
0xf: {  	[smem:$0x3FAB] =	sst s7  }
0x10: {  	[smem:$0x3FAC] =	sst s8  }
0x11: {  	[smem:$0x3FAD] =	sst s9;
	s0 =	simm.s32 @!p0 $0x0  }
0x12: {  	s1 =	sld [smem:$0x3F93];
	s0 =	simm.s32 @p0 $0x1  }
0x13: {  	[smem:$0x3FAE] =	sst s0;
	s0 =	simm.s32 @!p1 $0x0  }
0x14: {  	s2 =	sld [smem:$0x3F92];
	s0 =	simm.s32 @p1 $0x1  }
0x15: {  	[smem:$0x3FAF] =	sst s0;
	s0 =	simm.s32 @!p2 $0x0  }
0x16: {  	s3 =	sld [smem:$0x3FDB];
	s0 =	simm.s32 @p2 $0x1  }
0x17: {  	s4 =	simm.s32 $0x1BF5;
	[smem:$0x3FB1] =	sst s0  }
0x18: {  	s0 =	sld [smem:$0x3F94];
	_ =	swait.ge [sflag:s4], $0x0  }
0x19: {  	s7 =	sld [smem:$0x3F95]  }
0x1a: {  	s8 =	sadd.s32 $0xFFFFE003, lr  }
0x1b: {  	s9 =	sadd.s32 $0xFFFFFEF7, lr;
	s5 =	simm.s32 $0xFFFFFFFF;
	p2 =	slt.u32 s8, $0xFFFFF086  }
0x1c: {  	p1 =	slt.u32 s9, $0xF7A;
	s5 =	simm.s32 @!p2 $0x0  }
0x1d: {  	s5 =	simm.s32 @p1 $0x1;
	p0 =	seq.s32 s7, s2  }
0x1e: {  	s7 =	smul.u32 @!p0 $0xF7A, s2;
	p2 =	seq.s32 @!p0 s5, $0x0  }
0x1f: {  	s9 =	smul.u32 $0xF7A, s1;
	s8 =	simm.s32 @!p0 $0x1BF5;
	p2 =	por !p2, p0  }
0x20: {  	[sflag:s8] =	ssyncset.s32 @!p0 $0xFFFFF086;
	s6 =	sadd.s32 @!p0 s3, s7;
	s7 =	simm.s32 @!p0 $0x108  }
0x21: {  	s3 =	sadd.s32 s3, s9;
	s6 =	sadd.s32 @!p0 $0x88, s6;
	s7 =	simm.s32 @p2 $0x1082  }
0x22: {  	[simem:s7], [sflag:s8] =	dma.local @!p0 [hbm:s6], $0xF7A  }
0x23: {  	s9 =	sor.u32 $0xD0000000, s2;
	s6 =	simm.s32 $0x108;
	_ =	swait.ge @!p0 [sflag:s8], $0x0  }
0x24: {  	s3 =	sadd.s32 $0x88, s3;
	s6 =	simm.s32 @!p1 $0x1082;
	[sflag:s4] =	ssyncset.s32 $0xFFFFF086  }
0x25: {  	[simem:s6], [sflag:s4] =	dma.local [hbm:s3], $0xF7A  }
0x26: {  	[smem:$0x3F95] =	sst s1;
	(tag) =	ssettag s2;
	_ =	strace s9  }
0x27: {  	s1 =	sld [smem:$0x3FA5]  }
0x28: {  	s2 =	sld [smem:$0x3FA6]  }
0x29: {  	s4 =	sld [smem:$0x3FA8]  }
0x2a: {  	p0 =	seq.s32 s5, $0x0;
	s5 =	sld [smem:$0x3FA9]  }
0x2b: {  	s6 =	sld [smem:$0x3FAA]  }
0x2c: {  	s7 =	sld [smem:$0x3FAB]  }
0x2d: {  	s3 =	simm.s32 $0x108;
	s8 =	sld [smem:$0x3FAC]  }
0x2e: {  	s3 =	simm.s32 @!p0 $0x1082;
	s9 =	sld [smem:$0x3FAD]  }
0x2f: {  	lr =	sadd.s32 s0, s3;
	s0 =	sld [smem:$0x3FA4]  }
0x30: {  	s3 =	sld [smem:$0x3FA7]  }
0x31: {  	[smem:$0x3FB0] =	sst s10  }
0x32: {  	s10 =	sld [smem:$0x3FAE];
	_ =	sdelay $0x3  }
0x33: {  	p0 =	seq.s32 s10, $0x1;
	s10 =	sld [smem:$0x3FB0];
	_ =	sdelay $0x3  }
0x34: {  	[smem:$0x3FB0] =	sst s10  }
0x35: {  	s10 =	sld [smem:$0x3FAF];
	_ =	sdelay $0x3  }
0x36: {  	p1 =	seq.s32 s10, $0x1;
	s10 =	sld [smem:$0x3FB0];
	_ =	sdelay $0x3  }
0x37: {  	[smem:$0x3FB0] =	sst s10  }
0x38: {  	s10 =	sld [smem:$0x3FB1]  }
0x39: {  	_ = 	snop;
	(pc) =	sbr.ind lr, $3  }
0x3a: {  	_ = 	snop  }
0x3b: {  	_ = 	snop  }
0x3c: {  	p2 =	seq.s32 s10, $0x1;
	s10 =	sld [smem:$0x3FB0]  }
0x3d: {  	_ =	shalt  }
0x3e: {  	_ =	shalt  }
0x3f: {  	_ =	shalt  }
0x40: {  	_ =	shalt  }
0x41: {  	_ =	shalt  }
0x42: {  	_ =	shalt  }
0x43: {  	_ =	shalt  }
0x44: {  	_ =	shalt  }
0x45: {  	_ =	shalt  }
0x46: {  	_ =	shalt  }
0x47: {  	_ =	shalt  }
0x48: {  	_ =	shalt  }
0x49: {  	_ =	shalt  }
0x4a: {  	_ =	shalt  }
0x4b: {  	_ =	shalt  }
0x4c: {  	_ =	shalt  }
0x4d: {  	_ =	shalt  }
0x4e: {  	_ =	shalt  }
0x4f: {  	_ =	shalt  }
0x50: {  	_ =	shalt  }
0x51: {  	_ =	shalt  }
0x52: {  	_ =	shalt  }
0x53: {  	_ =	shalt  }
0x54: {  	_ =	shalt  }
0x55: {  	_ =	shalt  }
0x56: {  	_ =	shalt  }
0x57: {  	_ =	shalt  }
0x58: {  	_ =	shalt  }
0x59: {  	_ =	shalt  }
0x5a: {  	_ =	shalt  }
0x5b: {  	_ =	shalt  }
0x5c: {  	_ =	shalt  }
0x5d: {  	_ =	shalt  }
0x5e: {  	_ =	shalt  }
0x5f: {  	_ =	shalt  }
0x60: {  	_ =	shalt  }
0x61: {  	_ =	shalt  }
0x62: {  	_ =	shalt  }
0x63: {  	_ =	shalt  }
0x64: {  	_ =	shalt  }
0x65: {  	_ =	shalt  }
0x66: {  	_ =	shalt  }
0x67: {  	_ =	shalt  }
0x68: {  	_ =	shalt  }
0x69: {  	_ =	shalt  }
0x6a: {  	_ =	shalt  }
0x6b: {  	_ =	shalt  }
0x6c: {  	_ =	shalt  }
0x6d: {  	_ =	shalt  }
0x6e: {  	_ =	shalt  }
0x6f: {  	_ =	shalt  }
0x70: {  	_ =	shalt  }
0x71: {  	_ =	shalt  }
0x72: {  	_ =	shalt  }
0x73: {  	_ =	shalt  }
0x74: {  	_ =	shalt  }
0x75: {  	_ =	shalt  }
0x76: {  	_ =	shalt  }
0x77: {  	_ =	shalt  }
0x78: {  	_ =	shalt  }
0x79: {  	_ =	shalt  }
0x7a: {  	_ =	shalt  }
0x7b: {  	_ =	shalt  }
0x7c: {  	_ =	shalt  }
0x7d: {  	_ =	shalt  }
0x7e: {  	_ =	shalt  }
0x7f: {  	_ =	shalt  }
0x80: {  	_ =	shalt  }
0x81: {  	_ =	shalt  }
0x82: {  	_ =	shalt  }
0x83: {  	_ =	shalt  }
0x84: {  	_ =	shalt  }
0x85: {  	_ =	shalt  }
0x86: {  	_ =	shalt  }
0x87: {  	_ =	shalt  }
.Lfunc_end0:
.L_simem_size_0:
called_computation_lowered:
.L_overlay_start_0:
0x88: {  	s2 =	sld [smem:$0x3FD9]  }
0x89: {  	s3 =	sld [smem:$0x3FFE];
	_ =	sdelay $0x1  }
0x8a: {  	s1 =	srdreg.scid  }
0x8b: {  	s0 =	sand.u32 $0x1, s1  }
0x8c: {  	s17 =	sshll.u32 s0, $0xA;
	s2 =	sadd.s32 s3, s2  }
0x8d: {  	s2 =	sadd.s32 s2, s17  }
0x8e: {  	[smem:$0x3FBC] =	sst s2  }
0x8f: {  	_ = 	snop  }
0x90: {  	s2 =	sld [smem:$0x3FC9]  }
0x91: {  	s18 =	sld [smem:$0x3FC8]  }
0x92: {  	s4 =	sld [smem:$0x3FC7]  }
0x93: {  	s5 =	sld [smem:$0x3FC6];
	(tm) =	ssettm $0x1  }
0x94: {  	s6 =	sld [smem:$0x3FFB];
	_ =	sdelay $0x3  }
0x95: {  	_ =	strace s6  }
0x96: {  	s6 =	sld [smem:$0x3FFC];
	_ =	sdelay $0x3  }
0x97: {  	_ =	strace s6  }
0x98: {  	s6 =	sld [smem:$0x3FFD];
	_ =	sdelay $0x3  }
0x99: {  	_ =	strace s6  }
0x9a: {  	_ =	strace $0x8FFFFFFF  }
0x9b: {  	s19 =	sld [smem:$0x3FDB];
	_ =	sdelay $0x1  }
0x9c: {  	s7 =	simm.s32 $_scs_section_size  }
0x9d: {  	s8 =	simm.s32 $_size__tile_overlayer_lowered;
	s9 =	simm.s32 $_tile_overlayer_lowered  }
0x9e: {  	s22 =	simm.s32 $0x1BFF;
	s21 =	sshll.u32 s9, $0x1;
	s6 =	sadd.s32 s7, s19  }
0x9f: {  	s10 =	simm.s32 $0x0;
	s20 =	sshll.u32 s8, $0x1;
	s8 =	sadd.s32 s21, s6  }
0xa0: {  	[timem:s10], [sflag:s22] =	dma.local [hbm:s8], s20  }
0xa1: {  	_ =	swait.ge [sflag:s22], s20  }
0xa2: {  	s7 =	ssub.s32 $0x0, s20;
	[sflag:s22] =	ssyncset.done $0x0  }
0xa3: {  	[sflag:s22] =	ssyncadd.s32 s7;
	_ =	sdelay $0x1  }
0xa4: {  	s23 =	simm.s32 $0x1B8B  }
0xa5: {  	_ =	swait.ge [sflag:s23], $0x1  }
0xa6: {  	[sflag:s23] =	ssyncset.done $0x0  }
0xa7: {  	s25 =	simm.s32 $0x1B8E;
	s24 =	sld [smem:$0x3FFE];
	[sflag:s23] =	ssyncadd.s32 $0xFFFFFFFF  }
0xa8: {  	s26 =	simm.s32 $execute0_lowered;
	[smem:$0x3FD2] =	sst s25  }
0xa9: {  	s8 =	sshll.u32 s26, $0x1;
	_ =	strace $0x80000046;
	[dreg:$0x1] =	wrdreg $0xFFFFFFFF  }
0xaa: {  	s28 =	simm.s32 $_size_execute0_lowered;
	s6 =	sadd.s32 s6, s8;
	[dreg:$0x0] =	wrdreg $0x0  }
0xab: {  	s8 =	sshll.u32 s28, $0x1;
	[dreg:$0x2] =	wrdreg s6  }
0xac: {  	[dreg:$0x3] =	wrdreg s8  }
0xad: {  	[dreg:$0x4] =	wrdreg $0xC0  }
0xae: {  	_ =	task [dreg:s10], $0x5FFFF  }
0xaf: {  	[dreg:$0x1] =	wrdreg $0xFFFFFFFF  }
0xb0: {  	[dreg:$0x0] =	wrdreg $0x60  }
0xb1: {  	[dreg:$0x2] =	wrdreg s2  }
0xb2: {  	[dreg:$0x3] =	wrdreg s18  }
0xb3: {  	[dreg:$0x4] =	wrdreg s4  }
0xb4: {  	[dreg:$0x5] =	wrdreg s5  }
0xb5: {  	[dreg:$0x6] =	wrdreg s24  }
0xb6: {  	[dreg:$0x7] =	wrdreg $0x9  }
0xb7: {  	_ =	task.clear_ibuf [dreg:s10], $0x8FFFF;
	_ =	strace $0x90000046  }
0xb8: {  	s29 =	simm.s32 $0x9;
	_ =	strace $0x80000048  }
0xb9: {  	_ =	swait.ge [sflag:s29], $0x1  }
0xba: {  	[sflag:s29] =	ssyncadd.s32 $0xFFFFFFFF  }
0xbb: {  	_ =	strace $0x90000048  }
0xbc: {  	_ =	sfence  }
0xbd: {  	s30 =	sld [smem:$0x0];
	_ =	sdelay $0x2  }
0xbe: {  	s31 =	sshll.u32 s1, $0xD;
	s1 =	sshrl.u32 s1, $0x2  }
0xbf: {  	s3 =	sand.u32 $0x4000, s31;
	s1 =	sadd.s32 s1, s30  }
0xc0: {  	s0 =	sor.u32 s3, s0;
	s1 =	sshll.u32 s1, $0x11  }
0xc1: {  	s0 =	sor.u32 s1, s0  }
0xc2: {  	s0 =	sadd.s32 $0x8F2B, s0  }
0xc3: {  	[sflag:s0] =	ssyncadd.remote.s32 $0x1  }
0xc4: {  	_ =	sfence.sel $0xFFFF  }
0xc5: {  	[dreg:$0x0] =	wrdreg $0xFFFFFFFF;
	(pc) =	sbr.abs _section_cstart, $3  }
0xc6: {  	[dreg:$0x1] =	wrdreg $0xFFFFFFFF  }
0xc7: {  	_ =	task.clear_ibuf [dreg:s10], $0x2FFFF;
	_ =	strace $0x9FFFFFFF  }
0xc8: {  	(tm) =	ssettm $0x7FFFFFFF  }
0xc9: {  	_ =	shalt  }
tec
execute0_lowered:
.L_overlay_start_1:
0x0: {  	(tag) =	ssettag $0x1  }
0x1: {  	s5 =	rddreg [dreg:$0x0]  }
0x2: {  	s7 =	rddreg [dreg:$0x1]  }
0x3: {  	s1 =	rddreg [dreg:$0x2];
	s2 =	srdreg.scid  }
0x4: {  	s3 =	rddreg [dreg:$0x3];
	s0 =	stileid.u32;
	s18 =	sand.u32 $0x1, s2  }
0x5: {  	s11 =	rddreg [dreg:$0x4];
	s6 =	sshll.u32 s0, $0xA;
	s8 =	sshll.u32 s18, $0x9  }
0x6: {  	s4 =	simm.s32 $0x0;
	s2 =	rddreg [dreg:$0x5];
	s12 =	sor.u32 s8, s6  }
0x7: {  	[smem:$0x7FF] =	sst s4;
	s8 =	sshrl.u32 s12, $0x3  }
0x8: {  	_ =	strace $0x80000047;
	s6 =	simm.s32 $0x4;
	s5 =	sadd.s32 s5, s8  }
0x9: {  	[tilespmem:s4], [sflag:$0x4] =	stream.linear.gather [hbm4b:s5+s4], $0x200, $0x38;
	[tilespmem:$0x18400] =	vst v63  }
0xa: {  	_ =	swait.ge [sflag:s6], $0x200  }
0xb: {  	[sflag:s6] =	ssyncset.done $0x0  }
0xc: {  	s7 =	sadd.s32 s7, s8;
	s8 =	simm.s32 $0x200;
	[sflag:s6] =	ssyncadd.s32 $0xFFFFFE00  }
0xd: {  	[tilespmem:s8], [sflag:$0x4] =	stream.linear.gather [hbm4b:s7+s4], $0x200, $0x38;
	[tilespmem:$0x18400] =	vst v63  }
0xe: {  	_ =	swait.ge [sflag:s6], $0x200  }
0xf: {  	[sflag:s6] =	ssyncset.done $0x0  }
0x10: {  	s9 =	simm.s32 $0x400;
	s10 =	simm.s32 $0x1;
	[sflag:s6] =	ssyncadd.s32 $0xFFFFFE00  }
0x11: {  	[tilespmem:s9], [sflag:$0x1] =	stream.indirect.gather [hbm4b:s1+s8], $0x80, s4, s8, $0xb8;
	[tilespmem:$0x18400] =	vst v63  }
0x12: {  	s12 =	sshll.u32 s12, $0x5;
	_ =	swait.ge [sflag:s10], $0x10000  }
0x13: {  	s19 =	sadd.s32 s12, s11;
	[sflag:s10] =	ssyncset.done $0x0  }
0x14: {  	s12 =	simm.s32 $0x800;
	s11 =	sadd.s32 $0xE00, s19;
	[sflag:s10] =	ssyncadd.s32 $0xFFFF0000  }
0x15: {  	[hbm4b:s11+s9] =	stream.strided.scatter [tilespmem:s9], [sflag:$0x2], $0x10000, s12, s9, $0x38;
	[tilespmem:$0x18400] =	vst v63  }
0x16: {  	s13 =	simm.s32 $0x100;
	s14 =	simm.s32 $0x10400  }
0x17: {  	[tilespmem:s14], [sflag:$0x1] =	stream.indirect.gather [hbm4b:s3+s13], $0x80, s8, s13, $0xb8;
	[tilespmem:$0x18400] =	vst v63  }
0x18: {  	_ =	swait.ge [sflag:s10], $0x8000  }
0x19: {  	[sflag:s10] =	ssyncset.done $0x0  }
0x1a: {  	s16 =	simm.s32 $0x3;
	s15 =	sadd.s32 $0xE80, s19;
	[sflag:s10] =	ssyncadd.s32 $0xFFFF8000  }
0x1b: {  	[hbm4b:s15+s9] =	stream.strided.scatter [tilespmem:s14], [sflag:$0x3], $0x8000, s12, s9, $0x38;
	[tilespmem:$0x18400] =	vst v63  }
0x1c: {  	_ =	swait.ge [sflag:s16], $0x8000  }
0x1d: {  	s20 =	ssub.s32 $0x2, s18;
	[sflag:s16] =	ssyncset.done $0x0  }
0x1e: {  	s17 =	simm.s32 $0x300;
	s31 =	sshrl.u32 s20, $0x1;
	[sflag:s16] =	ssyncadd.s32 $0xFFFF8000  }
0x1f: {  	[tilespmem:s14], [sflag:$0x1] =	stream.indirect.gather [hbm4b:s3+s13], $0x80, s17, s13, $0xb8;
	[tilespmem:$0x18400] =	vst v63  }
0x20: {  	s18 =	sadd.s32 $0x2E80, s19;
	s19 =	ssub.s32 s20, s31;
	_ =	swait.ge [sflag:s10], $0x8000  }
0x21: {  	s20 =	smax.u32 s19, $0x1;
	[sflag:s10] =	ssyncset.done $0x0  }
0x22: {  	p0 =	sne.s32 s20, $0x1;
	[sflag:s10] =	ssyncadd.s32 $0xFFFF8000  }
0x23: {  	[hbm4b:s18+s9] =	stream.strided.scatter [tilespmem:s14], [sflag:$0x3], $0x8000, s12, s9, $0x38;
	[tilespmem:$0x18400] =	vst v63  }
.Ltmp0:
0x24: {  	_ =	swait.ge [sflag:s16], $0x8000;
	(pc) =	sbr.rel @!p0 .LBB2_2-.Ltmp0, $4  }
0x25: {  	[sflag:s16] =	ssyncset.done $0x0  }
0x26: {  	s19 =	simm.s32 $0x2;
	[sflag:s16] =	ssyncadd.s32 $0xFFFF8000  }
0x27: {  	_ =	swait.ge [sflag:s19], $0x10000  }
0x28: {  	s20 =	sadd.s32 $0xFFFFFFFF, s20;
	[sflag:s19] =	ssyncset.done $0x0  }
.LBB2_1:
0x29: {  	p0 =	sne.s32 s20, $0x1;
	s20 =	sadd.s32 $0xFFFFFFFF, s20;
	[sflag:s19] =	ssyncadd.s32 $0xFFFF0000  }
0x2a: {  	[tilespmem:s4], [sflag:$0x4] =	stream.linear.gather [hbm4b:s5+s4], $0x200, $0x38;
	[tilespmem:$0x18400] =	vst v63  }
0x2b: {  	_ =	swait.ge [sflag:s6], $0x200  }
0x2c: {  	[sflag:s6] =	ssyncset.done $0x0  }
0x2d: {  	[sflag:s6] =	ssyncadd.s32 $0xFFFFFE00  }
0x2e: {  	[tilespmem:s8], [sflag:$0x4] =	stream.linear.gather [hbm4b:s7+s4], $0x200, $0x38;
	[tilespmem:$0x18400] =	vst v63  }
0x2f: {  	_ =	swait.ge [sflag:s6], $0x200  }
0x30: {  	[sflag:s6] =	ssyncset.done $0x0  }
0x31: {  	[sflag:s6] =	ssyncadd.s32 $0xFFFFFE00  }
0x32: {  	[tilespmem:s9], [sflag:$0x1] =	stream.indirect.gather [hbm4b:s1+s8], $0x80, s4, s8, $0xb8;
	[tilespmem:$0x18400] =	vst v63  }
0x33: {  	_ =	swait.ge [sflag:s10], $0x10000  }
0x34: {  	[sflag:s10] =	ssyncset.done $0x0  }
0x35: {  	[sflag:s10] =	ssyncadd.s32 $0xFFFF0000  }
0x36: {  	[hbm4b:s11+s9] =	stream.strided.scatter [tilespmem:s9], [sflag:$0x2], $0x10000, s12, s9, $0x38;
	[tilespmem:$0x18400] =	vst v63  }
0x37: {  	_ = 	snop  }
0x38: {  	[tilespmem:s14], [sflag:$0x1] =	stream.indirect.gather [hbm4b:s3+s13], $0x80, s8, s13, $0xb8;
	[tilespmem:$0x18400] =	vst v63  }
0x39: {  	_ =	swait.ge [sflag:s10], $0x8000  }
0x3a: {  	[sflag:s10] =	ssyncset.done $0x0  }
0x3b: {  	[sflag:s10] =	ssyncadd.s32 $0xFFFF8000  }
0x3c: {  	[hbm4b:s15+s9] =	stream.strided.scatter [tilespmem:s14], [sflag:$0x3], $0x8000, s12, s9, $0x38;
	[tilespmem:$0x18400] =	vst v63  }
0x3d: {  	_ =	swait.ge [sflag:s16], $0x8000  }
0x3e: {  	[sflag:s16] =	ssyncset.done $0x0  }
0x3f: {  	[sflag:s16] =	ssyncadd.s32 $0xFFFF8000  }
0x40: {  	[tilespmem:s14], [sflag:$0x1] =	stream.indirect.gather [hbm4b:s3+s13], $0x80, s17, s13, $0xb8;
	[tilespmem:$0x18400] =	vst v63  }
0x41: {  	_ =	swait.ge [sflag:s10], $0x8000  }
0x42: {  	[sflag:s10] =	ssyncset.done $0x0  }
0x43: {  	[sflag:s10] =	ssyncadd.s32 $0xFFFF8000  }
0x44: {  	[hbm4b:s18+s9] =	stream.strided.scatter [tilespmem:s14], [sflag:$0x3], $0x8000, s12, s9, $0x38;
	[tilespmem:$0x18400] =	vst v63  }
.Ltmp1:
0x45: {  	_ =	swait.ge [sflag:s16], $0x8000;
	(pc) =	sbr.rel @p0 .LBB2_1-.Ltmp1, $4  }
0x46: {  	[sflag:s16] =	ssyncset.done $0x0  }
0x47: {  	[sflag:s16] =	ssyncadd.s32 $0xFFFF8000  }
0x48: {  	_ =	swait.ge [sflag:s19], $0x10000  }
0x49: {  	[sflag:s19] =	ssyncset.done $0x0  }
.LBB2_2:
0x4a: {  	[sflag:s19] =	ssyncadd.s32 $0xFFFF0000  }
0x4b: {  	_ =	sfence.sel $0x180000  }
0x4c: {  	[bflag:$0x0] =	sbarrier.arrive $0xFFFF  }
0x4d: {  	p0 =	sne.s32 s0, $0x0;
	_ =	strace $0x90000047  }
0x4e: {  	s0 =	sadd.s32 @!p0 $0x100000, s2;
	[bflag:$0x2] =	sbarrier.arrive $0xFFFF  }
0x4f: {  	[sflag:s0] =	ssyncadd.tile.s32 @!p0 $0x1;
	_ =	shalt  }
.Lfunc_end2:
_tile_overlayer_lowered:
.L_overlay_start_2:
0x50: {  	(tag) =	ssettag $0x2  }
0x51: {  	s0 =	rddreg [dreg:$0x0];
	s2 =	stileid.u32  }
0x52: {  	s1 =	rddreg [dreg:$0x1];
	p0 =	sne.s32 s2, $0x0  }
0x53: {  	s3 =	rddreg [dreg:$0x2];
	[bflag:$0x3] =	sbarrier.arrive $0xFFFF;
	s2 =	simm.s32 @!p0 $0x1C04  }
0x54: {  	[timem:s3], [sflag:s2] =	dma.local @!p0 [hbm:s0], s1  }
0x55: {  	s0 =	simm.s32 @!p0 $0x4  }
0x56: {  	_ =	swait.ge @!p0 [sflag:s0], s1  }
0x57: {  	s1 =	ssub.s32 @!p0 $0x0, s1;
	[sflag:s0] =	ssyncset.done @!p0 $0x0  }
0x58: {  	[sflag:s0] =	ssyncadd.s32 @!p0 s1  }
0x59: {  	[bflag:$0x3] =	sbarrier.arrive $0xFFFF  }
0x5a: {  	_ =	shalt  }

</sc_bundles>
